<compile_context>
chip_gen: v7x
topology: tpu7x:2x2x1
jax: 0.10.2.dev20260603
libtpu: 0.0.44.dev20260713+nightly
codegen_flags: <defaults>
</compile_context>

<pallas_src>
import functools

import jax
import jax.numpy as jnp
from jax import lax
from jax.experimental import pallas as pl
from jax.experimental.pallas import tpu as pltpu
from jax.experimental.pallas import tpu_sc as plsc

_RATIO = 16


def _mask_body(mask_ref, gmask_ref):
    gmask_ref[...] = jnp.all(mask_ref[...], axis=2)


def _make_sc_fill(B, Sg, D):
    info = plsc.get_sparse_core_info()
    NC, NS = info.num_cores, info.num_subcores
    NW = NC * NS
    ROWS = B * Sg
    assert ROWS % NW == 0
    rpw = ROWS // NW
    K = 32
    assert rpw % K == 0
    n_chunks = rpw // K
    assert Sg % rpw == 0
    wpb = Sg // rpw

    mesh = plsc.VectorSubcoreMesh(core_axis_name="c", subcore_axis_name="s")

    @functools.partial(
        pl.kernel,
        mesh=mesh,
        out_type=jax.ShapeDtypeStruct((B, Sg, D), jnp.float32),
        scratch_types=[
            pltpu.VMEM((K + 8, D), jnp.float32),
            pltpu.SemaphoreType.DMA,
        ],
    )
    def fill(w_hbm, out_hbm, buf, sem):
        cid = lax.axis_index("c")
        sid = lax.axis_index("s")
        wid = sid * NC + cid
        b = lax.div(wid, wpb)
        sg0 = pl.multiple_of(lax.rem(wid, wpb) * rpw, rpw)

        pltpu.sync_copy(w_hbm.at[pl.ds(0, D)], buf.at[0])

        def _rep(i, carry):
            v = buf[0, pl.ds(i * 16, 16)]
            for k in range(1, K + 8):
                buf[k, pl.ds(i * 16, 16)] = v
            return carry

        lax.fori_loop(0, D // 16, _rep, 0)

        @pl.when(lax.rem(wid, wpb) == 0)
        def _():
            pltpu.sync_copy(w_hbm.at[pl.ds(D, D)], buf.at[0])

        pltpu.async_copy(buf.at[pl.ds(0, K), :],
                         out_hbm.at[b, pl.ds(sg0, K), :], sem)
        for c in range(1, n_chunks):
            pltpu.async_copy(buf.at[pl.ds(8, K), :],
                             out_hbm.at[b, pl.ds(sg0 + c * K, K), :], sem)

        pltpu.make_async_copy(buf.at[pl.ds(0, K), :],
                              out_hbm.at[b, pl.ds(sg0, K), :], sem).wait()
        for c in range(1, n_chunks):
            pltpu.make_async_copy(
                buf.at[pl.ds(8, K), :],
                out_hbm.at[b, pl.ds(sg0 + c * K, K), :], sem).wait()

    return fill


def kernel(token_ids, padding_mask, embeds_weight):
    B, Sl = padding_mask.shape
    Sg = Sl // _RATIO
    D = embeds_weight.shape[1]

    fill = _make_sc_fill(B, Sg, D)
    emb = fill(embeds_weight.reshape(2 * D))

    mask3 = padding_mask.reshape(B, Sg, _RATIO)
    gmask = pl.pallas_call(
        _mask_body,
        out_shape=jax.ShapeDtypeStruct((B, Sg), jnp.bool_),
    )(mask3)
    return (emb, gmask)

# --- scband reference (transcript-rebuilt; emitter-appended) ---
"""Pipeline reference for scband-fixed-ratio-global-block-15290083574177 (READ-ONLY COPY).

The authoritative reference and input builder live on the scoring server;
editing this copy changes nothing except your own understanding.
"""

import jax, jax.numpy as jnp
import numpy as np

LONG_TO_GLOBAL_RATIO = 16
HIDDEN_SIZE = 1024

def setup_inputs(seed: int = 0) -> dict:
    key = jax.random.key(seed)
    k1, k2 = jax.random.split(key)
    token_ids = jax.random.randint(k1, (4, 8192), 0, 32000, dtype=jnp.int32)
    padding_mask = jnp.ones((4, 8192), dtype=bool)
    # nn.Embedding(2, hidden_size) since add_cls_token=True -> num_embeddings = 1 + 1
    embeds_weight = jax.random.normal(k2, (2, HIDDEN_SIZE), dtype=jnp.float32)
    return {"token_ids": token_ids, "padding_mask": padding_mask, "embeds_weight": embeds_weight}

def reference(token_ids, padding_mask, embeds_weight):
    B, Sl = token_ids.shape
    assert Sl % LONG_TO_GLOBAL_RATIO == 0
    Sg = Sl // LONG_TO_GLOBAL_RATIO
    global_token_ids = jnp.zeros((B, Sg), dtype=token_ids.dtype)
    global_token_ids = global_token_ids.at[:, 0].set(1)
    emb = jnp.take(embeds_weight, global_token_ids, axis=0)  # B x Sg x d
    global_padding_mask = jnp.all(
        padding_mask.reshape(B, Sg, LONG_TO_GLOBAL_RATIO), axis=2
    )
    return (emb, global_padding_mask)

if __name__ == "__main__":
    import jax
    _d = setup_inputs()
    print(jax.jit(kernel)(*tuple(_d.values())))

</pallas_src>

<mosaic_0001>
#map = affine_map<(d0, d1) -> (0)>
#map1 = affine_map<(d0, d1) -> (0, 0, 0)>
module attributes {stable_mosaic.version = 14 : i64} {
  func.func @fill(%arg0: i32, %arg1: i32, %arg2: memref<2048xf32, #tpu.memory_space<hbm>>, %arg3: memref<4x512x1024xf32, #tpu.memory_space<hbm>>, %arg4: memref<40x1024xf32, #tpu.memory_space<vmem>>, %arg5: memref<!tpu.dma_semaphore, #tpu.memory_space<semaphore_mem>>) attributes {dimension_semantics = [#tpu.dimension_semantics<core_parallel>, #tpu.dimension_semantics<subcore_parallel>], iteration_bounds = array<i64: 2, 16>, scalar_prefetch = 0 : i64, scratch_operands = 2 : i64, tpu.core_type = #tpu.core_type<sc_vector_subcore>, window_params = [{transform_indices = #map}, {transform_indices = #map1}]} {
    %mul3A = arith.constant 2 : i32
    %mul3A_0 = arith.muli %arg1, %mul3A : i32
    %add3A = arith.addi %mul3A_0, %arg0 : i32
    %div3A = arith.constant 8 : i32
    %div3A_1 = arith.divsi %add3A, %div3A : i32
    %rem3A = arith.constant 8 : i32
    %rem3A_2 = arith.remsi %add3A, %rem3A : i32
    %mul3A_3 = arith.constant 64 : i32
    %mul3A_4 = arith.muli %rem3A_2, %mul3A_3 : i32
    %multiple_of3A = tpu.assume_multiple %mul3A_4, 64 : i32
    %run_scoped3A = arith.constant 0 : i32
    "tpu.region"() ({
      %run_scoped3A_64 = tpu.sem_alloc : memref<!tpu.dma_semaphore, #tpu.memory_space<semaphore_mem>>
      %dma_start3A_65 = arith.constant 0 : i32
      %dma_start3A_66 = tpu.memref_slice %arg4[%run_scoped3A, %dma_start3A_65] : memref<40x1024xf32, #tpu.memory_space<vmem>> -> memref<1x1024xf32, #tpu.memory_space<vmem>>
      %dma_start3A_67 = tpu.memref_squeeze %dma_start3A_66 : memref<1x1024xf32, #tpu.memory_space<vmem>> -> memref<1024xf32, #tpu.memory_space<vmem>>
      %dma_start3A_68 = arith.constant 0 : i32
      %dma_start3A_69 = tpu.memref_slice %arg2[%dma_start3A_68] : memref<2048xf32, #tpu.memory_space<hbm>> -> memref<1024xf32, #tpu.memory_space<hbm>>
      %dma_start3A_70 = arith.constant 0 : i32
      %dma_start3A_71 = tpu.memref_slice %arg4[%run_scoped3A, %dma_start3A_70] : memref<40x1024xf32, #tpu.memory_space<vmem>> -> memref<1x1024xf32, #tpu.memory_space<vmem>>
      %dma_start3A_72 = tpu.memref_squeeze %dma_start3A_71 : memref<1x1024xf32, #tpu.memory_space<vmem>> -> memref<1024xf32, #tpu.memory_space<vmem>>
      %dma_start3A_73 = arith.constant 0 : i32
      %dma_start3A_74 = tpu.memref_slice %arg2[%dma_start3A_73] : memref<2048xf32, #tpu.memory_space<hbm>> -> memref<1024xf32, #tpu.memory_space<hbm>>
      tpu.enqueue_dma source(%dma_start3A_74 : memref<1024xf32, #tpu.memory_space<hbm>>) target(%dma_start3A_72 : memref<1024xf32, #tpu.memory_space<vmem>>) target_semaphore(%run_scoped3A_64 : memref<!tpu.dma_semaphore, #tpu.memory_space<semaphore_mem>>)
      %dma_wait3A_75 = arith.constant 0 : i32
      %dma_wait3A_76 = tpu.memref_slice %arg4[%run_scoped3A, %dma_wait3A_75] : memref<40x1024xf32, #tpu.memory_space<vmem>> -> memref<1x1024xf32, #tpu.memory_space<vmem>>
      %dma_wait3A_77 = tpu.memref_squeeze %dma_wait3A_76 : memref<1x1024xf32, #tpu.memory_space<vmem>> -> memref<1024xf32, #tpu.memory_space<vmem>>
      %dma_wait3A_78 = arith.constant 0 : i32
      %dma_wait3A_79 = tpu.memref_slice %arg2[%dma_wait3A_78] : memref<2048xf32, #tpu.memory_space<hbm>> -> memref<1024xf32, #tpu.memory_space<hbm>>
      %dma_wait3A_80 = arith.constant 0 : i32
      %dma_wait3A_81 = tpu.memref_slice %arg4[%run_scoped3A, %dma_wait3A_80] : memref<40x1024xf32, #tpu.memory_space<vmem>> -> memref<1x1024xf32, #tpu.memory_space<vmem>>
      %dma_wait3A_82 = tpu.memref_squeeze %dma_wait3A_81 : memref<1x1024xf32, #tpu.memory_space<vmem>> -> memref<1024xf32, #tpu.memory_space<vmem>>
      %dma_wait3A_83 = arith.constant 0 : i32
      %dma_wait3A_84 = tpu.memref_slice %arg2[%dma_wait3A_83] : memref<2048xf32, #tpu.memory_space<hbm>> -> memref<1024xf32, #tpu.memory_space<hbm>>
      tpu.wait_dma2 semaphore(%run_scoped3A_64 : memref<!tpu.dma_semaphore, #tpu.memory_space<semaphore_mem>>) src(%dma_wait3A_84 : memref<1024xf32, #tpu.memory_space<hbm>>) dst(%dma_wait3A_82 : memref<1024xf32, #tpu.memory_space<vmem>>)
      tpu.yield
    }) : () -> ()
    %scan3A = arith.constant 0 : i32
    %scan3A_5 = arith.constant 0 : i32
    %scan3A_6 = arith.constant 64 : i32
    %scan3A_7 = arith.addi %scan3A_5, %scan3A_6 : i32
    %scan3A_8 = arith.constant 1 : i32
    scf.for %scan3A_64 = %scan3A_5 to %scan3A_7 step %scan3A_8  : i32 {
      %mul3A_65 = arith.constant 16 : i32
      %mul3A_66 = arith.muli %scan3A_64, %mul3A_65 : i32
      %get3A = arith.constant 0 : i32
      %get3A_67 = arith.index_cast %get3A : i32 to index
      %get3A_68 = arith.index_cast %mul3A_66 : i32 to index
      %get3A_69 = tpu.vector_load %arg4[%get3A_67, %get3A_68] {strides = array<i32>} : memref<40x1024xf32, #tpu.memory_space<vmem>>, vector<1x16xf32>,
      %get3A_70 = vector.shape_cast %get3A_69 : vector<1x16xf32> to vector<16xf32>
      %mul3A_71 = arith.constant 16 : i32
      %mul3A_72 = arith.muli %scan3A_64, %mul3A_71 : i32
      %swap3A = arith.constant 1 : i32
      %swap3A_73 = arith.index_cast %swap3A : i32 to index
      %swap3A_74 = arith.index_cast %mul3A_72 : i32 to index
      %swap3A_75 = tpu.vector_load %arg4[%swap3A_73, %swap3A_74] {strides = array<i32>} : memref<40x1024xf32, #tpu.memory_space<vmem>>, vector<1x16xf32>,
      %swap3A_76 = vector.shape_cast %swap3A_75 : vector<1x16xf32> to vector<16xf32>
      %swap3A_77 = vector.shape_cast %get3A_70 : vector<16xf32> to vector<1x16xf32>
      tpu.vector_store %arg4[%swap3A_73, %swap3A_74], %swap3A_77 {strides = array<i32>} : memref<40x1024xf32, #tpu.memory_space<vmem>>, vector<1x16xf32>,
      %mul3A_78 = arith.constant 16 : i32
      %mul3A_79 = arith.muli %scan3A_64, %mul3A_78 : i32
      %swap3A_80 = arith.constant 2 : i32
      %swap3A_81 = arith.index_cast %swap3A_80 : i32 to index
      %swap3A_82 = arith.index_cast %mul3A_79 : i32 to index
      %swap3A_83 = tpu.vector_load %arg4[%swap3A_81, %swap3A_82] {strides = array<i32>} : memref<40x1024xf32, #tpu.memory_space<vmem>>, vector<1x16xf32>,
      %swap3A_84 = vector.shape_cast %swap3A_83 : vector<1x16xf32> to vector<16xf32>
      %swap3A_85 = vector.shape_cast %get3A_70 : vector<16xf32> to vector<1x16xf32>
      tpu.vector_store %arg4[%swap3A_81, %swap3A_82], %swap3A_85 {strides = array<i32>} : memref<40x1024xf32, #tpu.memory_space<vmem>>, vector<1x16xf32>,
      %mul3A_86 = arith.constant 16 : i32
      %mul3A_87 = arith.muli %scan3A_64, %mul3A_86 : i32
      %swap3A_88 = arith.constant 3 : i32
      %swap3A_89 = arith.index_cast %swap3A_88 : i32 to index
      %swap3A_90 = arith.index_cast %mul3A_87 : i32 to index
      %swap3A_91 = tpu.vector_load %arg4[%swap3A_89, %swap3A_90] {strides = array<i32>} : memref<40x1024xf32, #tpu.memory_space<vmem>>, vector<1x16xf32>,
      %swap3A_92 = vector.shape_cast %swap3A_91 : vector<1x16xf32> to vector<16xf32>
      %swap3A_93 = vector.shape_cast %get3A_70 : vector<16xf32> to vector<1x16xf32>
      tpu.vector_store %arg4[%swap3A_89, %swap3A_90], %swap3A_93 {strides = array<i32>} : memref<40x1024xf32, #tpu.memory_space<vmem>>, vector<1x16xf32>,
      %mul3A_94 = arith.constant 16 : i32
      %mul3A_95 = arith.muli %scan3A_64, %mul3A_94 : i32
      %swap3A_96 = arith.constant 4 : i32
      %swap3A_97 = arith.index_cast %swap3A_96 : i32 to index
      %swap3A_98 = arith.index_cast %mul3A_95 : i32 to index
      %swap3A_99 = tpu.vector_load %arg4[%swap3A_97, %swap3A_98] {strides = array<i32>} : memref<40x1024xf32, #tpu.memory_space<vmem>>, vector<1x16xf32>,
      %swap3A_100 = vector.shape_cast %swap3A_99 : vector<1x16xf32> to vector<16xf32>
      %swap3A_101 = vector.shape_cast %get3A_70 : vector<16xf32> to vector<1x16xf32>
      tpu.vector_store %arg4[%swap3A_97, %swap3A_98], %swap3A_101 {strides = array<i32>} : memref<40x1024xf32, #tpu.memory_space<vmem>>, vector<1x16xf32>,
      %mul3A_102 = arith.constant 16 : i32
      %mul3A_103 = arith.muli %scan3A_64, %mul3A_102 : i32
      %swap3A_104 = arith.constant 5 : i32
      %swap3A_105 = arith.index_cast %swap3A_104 : i32 to index
      %swap3A_106 = arith.index_cast %mul3A_103 : i32 to index
      %swap3A_107 = tpu.vector_load %arg4[%swap3A_105, %swap3A_106] {strides = array<i32>} : memref<40x1024xf32, #tpu.memory_space<vmem>>, vector<1x16xf32>,
      %swap3A_108 = vector.shape_cast %swap3A_107 : vector<1x16xf32> to vector<16xf32>
      %swap3A_109 = vector.shape_cast %get3A_70 : vector<16xf32> to vector<1x16xf32>
      tpu.vector_store %arg4[%swap3A_105, %swap3A_106], %swap3A_109 {strides = array<i32>} : memref<40x1024xf32, #tpu.memory_space<vmem>>, vector<1x16xf32>,
      %mul3A_110 = arith.constant 16 : i32
      %mul3A_111 = arith.muli %scan3A_64, %mul3A_110 : i32
      %swap3A_112 = arith.constant 6 : i32
      %swap3A_113 = arith.index_cast %swap3A_112 : i32 to index
      %swap3A_114 = arith.index_cast %mul3A_111 : i32 to index
      %swap3A_115 = tpu.vector_load %arg4[%swap3A_113, %swap3A_114] {strides = array<i32>} : memref<40x1024xf32, #tpu.memory_space<vmem>>, vector<1x16xf32>,
      %swap3A_116 = vector.shape_cast %swap3A_115 : vector<1x16xf32> to vector<16xf32>
      %swap3A_117 = vector.shape_cast %get3A_70 : vector<16xf32> to vector<1x16xf32>
      tpu.vector_store %arg4[%swap3A_113, %swap3A_114], %swap3A_117 {strides = array<i32>} : memref<40x1024xf32, #tpu.memory_space<vmem>>, vector<1x16xf32>,
      %mul3A_118 = arith.constant 16 : i32
      %mul3A_119 = arith.muli %scan3A_64, %mul3A_118 : i32
      %swap3A_120 = arith.constant 7 : i32
      %swap3A_121 = arith.index_cast %swap3A_120 : i32 to index
      %swap3A_122 = arith.index_cast %mul3A_119 : i32 to index
      %swap3A_123 = tpu.vector_load %arg4[%swap3A_121, %swap3A_122] {strides = array<i32>} : memref<40x1024xf32, #tpu.memory_space<vmem>>, vector<1x16xf32>,
      %swap3A_124 = vector.shape_cast %swap3A_123 : vector<1x16xf32> to vector<16xf32>
      %swap3A_125 = vector.shape_cast %get3A_70 : vector<16xf32> to vector<1x16xf32>
      tpu.vector_store %arg4[%swap3A_121, %swap3A_122], %swap3A_125 {strides = array<i32>} : memref<40x1024xf32, #tpu.memory_space<vmem>>, vector<1x16xf32>,
      %mul3A_126 = arith.constant 16 : i32
      %mul3A_127 = arith.muli %scan3A_64, %mul3A_126 : i32
      %swap3A_128 = arith.constant 8 : i32
      %swap3A_129 = arith.index_cast %swap3A_128 : i32 to index
      %swap3A_130 = arith.index_cast %mul3A_127 : i32 to index
      %swap3A_131 = tpu.vector_load %arg4[%swap3A_129, %swap3A_130] {strides = array<i32>} : memref<40x1024xf32, #tpu.memory_space<vmem>>, vector<1x16xf32>,
      %swap3A_132 = vector.shape_cast %swap3A_131 : vector<1x16xf32> to vector<16xf32>
      %swap3A_133 = vector.shape_cast %get3A_70 : vector<16xf32> to vector<1x16xf32>
      tpu.vector_store %arg4[%swap3A_129, %swap3A_130], %swap3A_133 {strides = array<i32>} : memref<40x1024xf32, #tpu.memory_space<vmem>>, vector<1x16xf32>,
      %mul3A_134 = arith.constant 16 : i32
      %mul3A_135 = arith.muli %scan3A_64, %mul3A_134 : i32
      %swap3A_136 = arith.constant 9 : i32
      %swap3A_137 = arith.index_cast %swap3A_136 : i32 to index
      %swap3A_138 = arith.index_cast %mul3A_135 : i32 to index
      %swap3A_139 = tpu.vector_load %arg4[%swap3A_137, %swap3A_138] {strides = array<i32>} : memref<40x1024xf32, #tpu.memory_space<vmem>>, vector<1x16xf32>,
      %swap3A_140 = vector.shape_cast %swap3A_139 : vector<1x16xf32> to vector<16xf32>
      %swap3A_141 = vector.shape_cast %get3A_70 : vector<16xf32> to vector<1x16xf32>
      tpu.vector_store %arg4[%swap3A_137, %swap3A_138], %swap3A_141 {strides = array<i32>} : memref<40x1024xf32, #tpu.memory_space<vmem>>, vector<1x16xf32>,
      %mul3A_142 = arith.constant 16 : i32
      %mul3A_143 = arith.muli %scan3A_64, %mul3A_142 : i32
      %swap3A_144 = arith.constant 10 : i32
      %swap3A_145 = arith.index_cast %swap3A_144 : i32 to index
      %swap3A_146 = arith.index_cast %mul3A_143 : i32 to index
      %swap3A_147 = tpu.vector_load %arg4[%swap3A_145, %swap3A_146] {strides = array<i32>} : memref<40x1024xf32, #tpu.memory_space<vmem>>, vector<1x16xf32>,
      %swap3A_148 = vector.shape_cast %swap3A_147 : vector<1x16xf32> to vector<16xf32>
      %swap3A_149 = vector.shape_cast %get3A_70 : vector<16xf32> to vector<1x16xf32>
      tpu.vector_store %arg4[%swap3A_145, %swap3A_146], %swap3A_149 {strides = array<i32>} : memref<40x1024xf32, #tpu.memory_space<vmem>>, vector<1x16xf32>,
      %mul3A_150 = arith.constant 16 : i32
      %mul3A_151 = arith.muli %scan3A_64, %mul3A_150 : i32
      %swap3A_152 = arith.constant 11 : i32
      %swap3A_153 = arith.index_cast %swap3A_152 : i32 to index
      %swap3A_154 = arith.index_cast %mul3A_151 : i32 to index
      %swap3A_155 = tpu.vector_load %arg4[%swap3A_153, %swap3A_154] {strides = array<i32>} : memref<40x1024xf32, #tpu.memory_space<vmem>>, vector<1x16xf32>,
      %swap3A_156 = vector.shape_cast %swap3A_155 : vector<1x16xf32> to vector<16xf32>
      %swap3A_157 = vector.shape_cast %get3A_70 : vector<16xf32> to vector<1x16xf32>
      tpu.vector_store %arg4[%swap3A_153, %swap3A_154], %swap3A_157 {strides = array<i32>} : memref<40x1024xf32, #tpu.memory_space<vmem>>, vector<1x16xf32>,
      %mul3A_158 = arith.constant 16 : i32
      %mul3A_159 = arith.muli %scan3A_64, %mul3A_158 : i32
      %swap3A_160 = arith.constant 12 : i32
      %swap3A_161 = arith.index_cast %swap3A_160 : i32 to index
      %swap3A_162 = arith.index_cast %mul3A_159 : i32 to index
      %swap3A_163 = tpu.vector_load %arg4[%swap3A_161, %swap3A_162] {strides = array<i32>} : memref<40x1024xf32, #tpu.memory_space<vmem>>, vector<1x16xf32>,
      %swap3A_164 = vector.shape_cast %swap3A_163 : vector<1x16xf32> to vector<16xf32>
      %swap3A_165 = vector.shape_cast %get3A_70 : vector<16xf32> to vector<1x16xf32>
      tpu.vector_store %arg4[%swap3A_161, %swap3A_162], %swap3A_165 {strides = array<i32>} : memref<40x1024xf32, #tpu.memory_space<vmem>>, vector<1x16xf32>,
      %mul3A_166 = arith.constant 16 : i32
      %mul3A_167 = arith.muli %scan3A_64, %mul3A_166 : i32
      %swap3A_168 = arith.constant 13 : i32
      %swap3A_169 = arith.index_cast %swap3A_168 : i32 to index
      %swap3A_170 = arith.index_cast %mul3A_167 : i32 to index
      %swap3A_171 = tpu.vector_load %arg4[%swap3A_169, %swap3A_170] {strides = array<i32>} : memref<40x1024xf32, #tpu.memory_space<vmem>>, vector<1x16xf32>,
      %swap3A_172 = vector.shape_cast %swap3A_171 : vector<1x16xf32> to vector<16xf32>
      %swap3A_173 = vector.shape_cast %get3A_70 : vector<16xf32> to vector<1x16xf32>
      tpu.vector_store %arg4[%swap3A_169, %swap3A_170], %swap3A_173 {strides = array<i32>} : memref<40x1024xf32, #tpu.memory_space<vmem>>, vector<1x16xf32>,
      %mul3A_174 = arith.constant 16 : i32
      %mul3A_175 = arith.muli %scan3A_64, %mul3A_174 : i32
      %swap3A_176 = arith.constant 14 : i32
      %swap3A_177 = arith.index_cast %swap3A_176 : i32 to index
      %swap3A_178 = arith.index_cast %mul3A_175 : i32 to index
      %swap3A_179 = tpu.vector_load %arg4[%swap3A_177, %swap3A_178] {strides = array<i32>} : memref<40x1024xf32, #tpu.memory_space<vmem>>, vector<1x16xf32>,
      %swap3A_180 = vector.shape_cast %swap3A_179 : vector<1x16xf32> to vector<16xf32>
      %swap3A_181 = vector.shape_cast %get3A_70 : vector<16xf32> to vector<1x16xf32>
      tpu.vector_store %arg4[%swap3A_177, %swap3A_178], %swap3A_181 {strides = array<i32>} : memref<40x1024xf32, #tpu.memory_space<vmem>>, vector<1x16xf32>,
      %mul3A_182 = arith.constant 16 : i32
      %mul3A_183 = arith.muli %scan3A_64, %mul3A_182 : i32
      %swap3A_184 = arith.constant 15 : i32
      %swap3A_185 = arith.index_cast %swap3A_184 : i32 to index
      %swap3A_186 = arith.index_cast %mul3A_183 : i32 to index
      %swap3A_187 = tpu.vector_load %arg4[%swap3A_185, %swap3A_186] {strides = array<i32>} : memref<40x1024xf32, #tpu.memory_space<vmem>>, vector<1x16xf32>,
      %swap3A_188 = vector.shape_cast %swap3A_187 : vector<1x16xf32> to vector<16xf32>
      %swap3A_189 = vector.shape_cast %get3A_70 : vector<16xf32> to vector<1x16xf32>
      tpu.vector_store %arg4[%swap3A_185, %swap3A_186], %swap3A_189 {strides = array<i32>} : memref<40x1024xf32, #tpu.memory_space<vmem>>, vector<1x16xf32>,
      %mul3A_190 = arith.constant 16 : i32
      %mul3A_191 = arith.muli %scan3A_64, %mul3A_190 : i32
      %swap3A_192 = arith.constant 16 : i32
      %swap3A_193 = arith.index_cast %swap3A_192 : i32 to index
      %swap3A_194 = arith.index_cast %mul3A_191 : i32 to index
      %swap3A_195 = tpu.vector_load %arg4[%swap3A_193, %swap3A_194] {strides = array<i32>} : memref<40x1024xf32, #tpu.memory_space<vmem>>, vector<1x16xf32>,
      %swap3A_196 = vector.shape_cast %swap3A_195 : vector<1x16xf32> to vector<16xf32>
      %swap3A_197 = vector.shape_cast %get3A_70 : vector<16xf32> to vector<1x16xf32>
      tpu.vector_store %arg4[%swap3A_193, %swap3A_194], %swap3A_197 {strides = array<i32>} : memref<40x1024xf32, #tpu.memory_space<vmem>>, vector<1x16xf32>,
      %mul3A_198 = arith.constant 16 : i32
      %mul3A_199 = arith.muli %scan3A_64, %mul3A_198 : i32
      %swap3A_200 = arith.constant 17 : i32
      %swap3A_201 = arith.index_cast %swap3A_200 : i32 to index
      %swap3A_202 = arith.index_cast %mul3A_199 : i32 to index
      %swap3A_203 = tpu.vector_load %arg4[%swap3A_201, %swap3A_202] {strides = array<i32>} : memref<40x1024xf32, #tpu.memory_space<vmem>>, vector<1x16xf32>,
      %swap3A_204 = vector.shape_cast %swap3A_203 : vector<1x16xf32> to vector<16xf32>
      %swap3A_205 = vector.shape_cast %get3A_70 : vector<16xf32> to vector<1x16xf32>
      tpu.vector_store %arg4[%swap3A_201, %swap3A_202], %swap3A_205 {strides = array<i32>} : memref<40x1024xf32, #tpu.memory_space<vmem>>, vector<1x16xf32>,
      %mul3A_206 = arith.constant 16 : i32
      %mul3A_207 = arith.muli %scan3A_64, %mul3A_206 : i32
      %swap3A_208 = arith.constant 18 : i32
      %swap3A_209 = arith.index_cast %swap3A_208 : i32 to index
      %swap3A_210 = arith.index_cast %mul3A_207 : i32 to index
      %swap3A_211 = tpu.vector_load %arg4[%swap3A_209, %swap3A_210] {strides = array<i32>} : memref<40x1024xf32, #tpu.memory_space<vmem>>, vector<1x16xf32>,
      %swap3A_212 = vector.shape_cast %swap3A_211 : vector<1x16xf32> to vector<16xf32>
      %swap3A_213 = vector.shape_cast %get3A_70 : vector<16xf32> to vector<1x16xf32>
      tpu.vector_store %arg4[%swap3A_209, %swap3A_210], %swap3A_213 {strides = array<i32>} : memref<40x1024xf32, #tpu.memory_space<vmem>>, vector<1x16xf32>,
      %mul3A_214 = arith.constant 16 : i32
      %mul3A_215 = arith.muli %scan3A_64, %mul3A_214 : i32
      %swap3A_216 = arith.constant 19 : i32
      %swap3A_217 = arith.index_cast %swap3A_216 : i32 to index
      %swap3A_218 = arith.index_cast %mul3A_215 : i32 to index
      %swap3A_219 = tpu.vector_load %arg4[%swap3A_217, %swap3A_218] {strides = array<i32>} : memref<40x1024xf32, #tpu.memory_space<vmem>>, vector<1x16xf32>,
      %swap3A_220 = vector.shape_cast %swap3A_219 : vector<1x16xf32> to vector<16xf32>
      %swap3A_221 = vector.shape_cast %get3A_70 : vector<16xf32> to vector<1x16xf32>
      tpu.vector_store %arg4[%swap3A_217, %swap3A_218], %swap3A_221 {strides = array<i32>} : memref<40x1024xf32, #tpu.memory_space<vmem>>, vector<1x16xf32>,
      %mul3A_222 = arith.constant 16 : i32
      %mul3A_223 = arith.muli %scan3A_64, %mul3A_222 : i32
      %swap3A_224 = arith.constant 20 : i32
      %swap3A_225 = arith.index_cast %swap3A_224 : i32 to index
      %swap3A_226 = arith.index_cast %mul3A_223 : i32 to index
      %swap3A_227 = tpu.vector_load %arg4[%swap3A_225, %swap3A_226] {strides = array<i32>} : memref<40x1024xf32, #tpu.memory_space<vmem>>, vector<1x16xf32>,
      %swap3A_228 = vector.shape_cast %swap3A_227 : vector<1x16xf32> to vector<16xf32>
      %swap3A_229 = vector.shape_cast %get3A_70 : vector<16xf32> to vector<1x16xf32>
      tpu.vector_store %arg4[%swap3A_225, %swap3A_226], %swap3A_229 {strides = array<i32>} : memref<40x1024xf32, #tpu.memory_space<vmem>>, vector<1x16xf32>,
      %mul3A_230 = arith.constant 16 : i32
      %mul3A_231 = arith.muli %scan3A_64, %mul3A_230 : i32
      %swap3A_232 = arith.constant 21 : i32
      %swap3A_233 = arith.index_cast %swap3A_232 : i32 to index
      %swap3A_234 = arith.index_cast %mul3A_231 : i32 to index
      %swap3A_235 = tpu.vector_load %arg4[%swap3A_233, %swap3A_234] {strides = array<i32>} : memref<40x1024xf32, #tpu.memory_space<vmem>>, vector<1x16xf32>,
      %swap3A_236 = vector.shape_cast %swap3A_235 : vector<1x16xf32> to vector<16xf32>
      %swap3A_237 = vector.shape_cast %get3A_70 : vector<16xf32> to vector<1x16xf32>
      tpu.vector_store %arg4[%swap3A_233, %swap3A_234], %swap3A_237 {strides = array<i32>} : memref<40x1024xf32, #tpu.memory_space<vmem>>, vector<1x16xf32>,
      %mul3A_238 = arith.constant 16 : i32
      %mul3A_239 = arith.muli %scan3A_64, %mul3A_238 : i32
      %swap3A_240 = arith.constant 22 : i32
      %swap3A_241 = arith.index_cast %swap3A_240 : i32 to index
      %swap3A_242 = arith.index_cast %mul3A_239 : i32 to index
      %swap3A_243 = tpu.vector_load %arg4[%swap3A_241, %swap3A_242] {strides = array<i32>} : memref<40x1024xf32, #tpu.memory_space<vmem>>, vector<1x16xf32>,
      %swap3A_244 = vector.shape_cast %swap3A_243 : vector<1x16xf32> to vector<16xf32>
      %swap3A_245 = vector.shape_cast %get3A_70 : vector<16xf32> to vector<1x16xf32>
      tpu.vector_store %arg4[%swap3A_241, %swap3A_242], %swap3A_245 {strides = array<i32>} : memref<40x1024xf32, #tpu.memory_space<vmem>>, vector<1x16xf32>,
      %mul3A_246 = arith.constant 16 : i32
      %mul3A_247 = arith.muli %scan3A_64, %mul3A_246 : i32
      %swap3A_248 = arith.constant 23 : i32
      %swap3A_249 = arith.index_cast %swap3A_248 : i32 to index
      %swap3A_250 = arith.index_cast %mul3A_247 : i32 to index
      %swap3A_251 = tpu.vector_load %arg4[%swap3A_249, %swap3A_250] {strides = array<i32>} : memref<40x1024xf32, #tpu.memory_space<vmem>>, vector<1x16xf32>,
      %swap3A_252 = vector.shape_cast %swap3A_251 : vector<1x16xf32> to vector<16xf32>
      %swap3A_253 = vector.shape_cast %get3A_70 : vector<16xf32> to vector<1x16xf32>
      tpu.vector_store %arg4[%swap3A_249, %swap3A_250], %swap3A_253 {strides = array<i32>} : memref<40x1024xf32, #tpu.memory_space<vmem>>, vector<1x16xf32>,
      %mul3A_254 = arith.constant 16 : i32
      %mul3A_255 = arith.muli %scan3A_64, %mul3A_254 : i32
      %swap3A_256 = arith.constant 24 : i32
      %swap3A_257 = arith.index_cast %swap3A_256 : i32 to index
      %swap3A_258 = arith.index_cast %mul3A_255 : i32 to index
      %swap3A_259 = tpu.vector_load %arg4[%swap3A_257, %swap3A_258] {strides = array<i32>} : memref<40x1024xf32, #tpu.memory_space<vmem>>, vector<1x16xf32>,
      %swap3A_260 = vector.shape_cast %swap3A_259 : vector<1x16xf32> to vector<16xf32>
      %swap3A_261 = vector.shape_cast %get3A_70 : vector<16xf32> to vector<1x16xf32>
      tpu.vector_store %arg4[%swap3A_257, %swap3A_258], %swap3A_261 {strides = array<i32>} : memref<40x1024xf32, #tpu.memory_space<vmem>>, vector<1x16xf32>,
      %mul3A_262 = arith.constant 16 : i32
      %mul3A_263 = arith.muli %scan3A_64, %mul3A_262 : i32
      %swap3A_264 = arith.constant 25 : i32
      %swap3A_265 = arith.index_cast %swap3A_264 : i32 to index
      %swap3A_266 = arith.index_cast %mul3A_263 : i32 to index
      %swap3A_267 = tpu.vector_load %arg4[%swap3A_265, %swap3A_266] {strides = array<i32>} : memref<40x1024xf32, #tpu.memory_space<vmem>>, vector<1x16xf32>,
      %swap3A_268 = vector.shape_cast %swap3A_267 : vector<1x16xf32> to vector<16xf32>
      %swap3A_269 = vector.shape_cast %get3A_70 : vector<16xf32> to vector<1x16xf32>
      tpu.vector_store %arg4[%swap3A_265, %swap3A_266], %swap3A_269 {strides = array<i32>} : memref<40x1024xf32, #tpu.memory_space<vmem>>, vector<1x16xf32>,
      %mul3A_270 = arith.constant 16 : i32
      %mul3A_271 = arith.muli %scan3A_64, %mul3A_270 : i32
      %swap3A_272 = arith.constant 26 : i32
      %swap3A_273 = arith.index_cast %swap3A_272 : i32 to index
      %swap3A_274 = arith.index_cast %mul3A_271 : i32 to index
      %swap3A_275 = tpu.vector_load %arg4[%swap3A_273, %swap3A_274] {strides = array<i32>} : memref<40x1024xf32, #tpu.memory_space<vmem>>, vector<1x16xf32>,
      %swap3A_276 = vector.shape_cast %swap3A_275 : vector<1x16xf32> to vector<16xf32>
      %swap3A_277 = vector.shape_cast %get3A_70 : vector<16xf32> to vector<1x16xf32>
      tpu.vector_store %arg4[%swap3A_273, %swap3A_274], %swap3A_277 {strides = array<i32>} : memref<40x1024xf32, #tpu.memory_space<vmem>>, vector<1x16xf32>,
      %mul3A_278 = arith.constant 16 : i32
      %mul3A_279 = arith.muli %scan3A_64, %mul3A_278 : i32
      %swap3A_280 = arith.constant 27 : i32
      %swap3A_281 = arith.index_cast %swap3A_280 : i32 to index
      %swap3A_282 = arith.index_cast %mul3A_279 : i32 to index
      %swap3A_283 = tpu.vector_load %arg4[%swap3A_281, %swap3A_282] {strides = array<i32>} : memref<40x1024xf32, #tpu.memory_space<vmem>>, vector<1x16xf32>,
      %swap3A_284 = vector.shape_cast %swap3A_283 : vector<1x16xf32> to vector<16xf32>
      %swap3A_285 = vector.shape_cast %get3A_70 : vector<16xf32> to vector<1x16xf32>
      tpu.vector_store %arg4[%swap3A_281, %swap3A_282], %swap3A_285 {strides = array<i32>} : memref<40x1024xf32, #tpu.memory_space<vmem>>, vector<1x16xf32>,
      %mul3A_286 = arith.constant 16 : i32
      %mul3A_287 = arith.muli %scan3A_64, %mul3A_286 : i32
      %swap3A_288 = arith.constant 28 : i32
      %swap3A_289 = arith.index_cast %swap3A_288 : i32 to index
      %swap3A_290 = arith.index_cast %mul3A_287 : i32 to index
      %swap3A_291 = tpu.vector_load %arg4[%swap3A_289, %swap3A_290] {strides = array<i32>} : memref<40x1024xf32, #tpu.memory_space<vmem>>, vector<1x16xf32>,
      %swap3A_292 = vector.shape_cast %swap3A_291 : vector<1x16xf32> to vector<16xf32>
      %swap3A_293 = vector.shape_cast %get3A_70 : vector<16xf32> to vector<1x16xf32>
      tpu.vector_store %arg4[%swap3A_289, %swap3A_290], %swap3A_293 {strides = array<i32>} : memref<40x1024xf32, #tpu.memory_space<vmem>>, vector<1x16xf32>,
      %mul3A_294 = arith.constant 16 : i32
      %mul3A_295 = arith.muli %scan3A_64, %mul3A_294 : i32
      %swap3A_296 = arith.constant 29 : i32
      %swap3A_297 = arith.index_cast %swap3A_296 : i32 to index
      %swap3A_298 = arith.index_cast %mul3A_295 : i32 to index
      %swap3A_299 = tpu.vector_load %arg4[%swap3A_297, %swap3A_298] {strides = array<i32>} : memref<40x1024xf32, #tpu.memory_space<vmem>>, vector<1x16xf32>,
      %swap3A_300 = vector.shape_cast %swap3A_299 : vector<1x16xf32> to vector<16xf32>
      %swap3A_301 = vector.shape_cast %get3A_70 : vector<16xf32> to vector<1x16xf32>
      tpu.vector_store %arg4[%swap3A_297, %swap3A_298], %swap3A_301 {strides = array<i32>} : memref<40x1024xf32, #tpu.memory_space<vmem>>, vector<1x16xf32>,
      %mul3A_302 = arith.constant 16 : i32
      %mul3A_303 = arith.muli %scan3A_64, %mul3A_302 : i32
      %swap3A_304 = arith.constant 30 : i32
      %swap3A_305 = arith.index_cast %swap3A_304 : i32 to index
      %swap3A_306 = arith.index_cast %mul3A_303 : i32 to index
      %swap3A_307 = tpu.vector_load %arg4[%swap3A_305, %swap3A_306] {strides = array<i32>} : memref<40x1024xf32, #tpu.memory_space<vmem>>, vector<1x16xf32>,
      %swap3A_308 = vector.shape_cast %swap3A_307 : vector<1x16xf32> to vector<16xf32>
      %swap3A_309 = vector.shape_cast %get3A_70 : vector<16xf32> to vector<1x16xf32>
      tpu.vector_store %arg4[%swap3A_305, %swap3A_306], %swap3A_309 {strides = array<i32>} : memref<40x1024xf32, #tpu.memory_space<vmem>>, vector<1x16xf32>,
      %mul3A_310 = arith.constant 16 : i32
      %mul3A_311 = arith.muli %scan3A_64, %mul3A_310 : i32
      %swap3A_312 = arith.constant 31 : i32
      %swap3A_313 = arith.index_cast %swap3A_312 : i32 to index
      %swap3A_314 = arith.index_cast %mul3A_311 : i32 to index
      %swap3A_315 = tpu.vector_load %arg4[%swap3A_313, %swap3A_314] {strides = array<i32>} : memref<40x1024xf32, #tpu.memory_space<vmem>>, vector<1x16xf32>,
      %swap3A_316 = vector.shape_cast %swap3A_315 : vector<1x16xf32> to vector<16xf32>
      %swap3A_317 = vector.shape_cast %get3A_70 : vector<16xf32> to vector<1x16xf32>
      tpu.vector_store %arg4[%swap3A_313, %swap3A_314], %swap3A_317 {strides = array<i32>} : memref<40x1024xf32, #tpu.memory_space<vmem>>, vector<1x16xf32>,
      %mul3A_318 = arith.constant 16 : i32
      %mul3A_319 = arith.muli %scan3A_64, %mul3A_318 : i32
      %swap3A_320 = arith.constant 32 : i32
      %swap3A_321 = arith.index_cast %swap3A_320 : i32 to index
      %swap3A_322 = arith.index_cast %mul3A_319 : i32 to index
      %swap3A_323 = tpu.vector_load %arg4[%swap3A_321, %swap3A_322] {strides = array<i32>} : memref<40x1024xf32, #tpu.memory_space<vmem>>, vector<1x16xf32>,
      %swap3A_324 = vector.shape_cast %swap3A_323 : vector<1x16xf32> to vector<16xf32>
      %swap3A_325 = vector.shape_cast %get3A_70 : vector<16xf32> to vector<1x16xf32>
      tpu.vector_store %arg4[%swap3A_321, %swap3A_322], %swap3A_325 {strides = array<i32>} : memref<40x1024xf32, #tpu.memory_space<vmem>>, vector<1x16xf32>,
      %mul3A_326 = arith.constant 16 : i32
      %mul3A_327 = arith.muli %scan3A_64, %mul3A_326 : i32
      %swap3A_328 = arith.constant 33 : i32
      %swap3A_329 = arith.index_cast %swap3A_328 : i32 to index
      %swap3A_330 = arith.index_cast %mul3A_327 : i32 to index
      %swap3A_331 = tpu.vector_load %arg4[%swap3A_329, %swap3A_330] {strides = array<i32>} : memref<40x1024xf32, #tpu.memory_space<vmem>>, vector<1x16xf32>,
      %swap3A_332 = vector.shape_cast %swap3A_331 : vector<1x16xf32> to vector<16xf32>
      %swap3A_333 = vector.shape_cast %get3A_70 : vector<16xf32> to vector<1x16xf32>
      tpu.vector_store %arg4[%swap3A_329, %swap3A_330], %swap3A_333 {strides = array<i32>} : memref<40x1024xf32, #tpu.memory_space<vmem>>, vector<1x16xf32>,
      %mul3A_334 = arith.constant 16 : i32
      %mul3A_335 = arith.muli %scan3A_64, %mul3A_334 : i32
      %swap3A_336 = arith.constant 34 : i32
      %swap3A_337 = arith.index_cast %swap3A_336 : i32 to index
      %swap3A_338 = arith.index_cast %mul3A_335 : i32 to index
      %swap3A_339 = tpu.vector_load %arg4[%swap3A_337, %swap3A_338] {strides = array<i32>} : memref<40x1024xf32, #tpu.memory_space<vmem>>, vector<1x16xf32>,
      %swap3A_340 = vector.shape_cast %swap3A_339 : vector<1x16xf32> to vector<16xf32>
      %swap3A_341 = vector.shape_cast %get3A_70 : vector<16xf32> to vector<1x16xf32>
      tpu.vector_store %arg4[%swap3A_337, %swap3A_338], %swap3A_341 {strides = array<i32>} : memref<40x1024xf32, #tpu.memory_space<vmem>>, vector<1x16xf32>,
      %mul3A_342 = arith.constant 16 : i32
      %mul3A_343 = arith.muli %scan3A_64, %mul3A_342 : i32
      %swap3A_344 = arith.constant 35 : i32
      %swap3A_345 = arith.index_cast %swap3A_344 : i32 to index
      %swap3A_346 = arith.index_cast %mul3A_343 : i32 to index
      %swap3A_347 = tpu.vector_load %arg4[%swap3A_345, %swap3A_346] {strides = array<i32>} : memref<40x1024xf32, #tpu.memory_space<vmem>>, vector<1x16xf32>,
      %swap3A_348 = vector.shape_cast %swap3A_347 : vector<1x16xf32> to vector<16xf32>
      %swap3A_349 = vector.shape_cast %get3A_70 : vector<16xf32> to vector<1x16xf32>
      tpu.vector_store %arg4[%swap3A_345, %swap3A_346], %swap3A_349 {strides = array<i32>} : memref<40x1024xf32, #tpu.memory_space<vmem>>, vector<1x16xf32>,
      %mul3A_350 = arith.constant 16 : i32
      %mul3A_351 = arith.muli %scan3A_64, %mul3A_350 : i32
      %swap3A_352 = arith.constant 36 : i32
      %swap3A_353 = arith.index_cast %swap3A_352 : i32 to index
      %swap3A_354 = arith.index_cast %mul3A_351 : i32 to index
      %swap3A_355 = tpu.vector_load %arg4[%swap3A_353, %swap3A_354] {strides = array<i32>} : memref<40x1024xf32, #tpu.memory_space<vmem>>, vector<1x16xf32>,
      %swap3A_356 = vector.shape_cast %swap3A_355 : vector<1x16xf32> to vector<16xf32>
      %swap3A_357 = vector.shape_cast %get3A_70 : vector<16xf32> to vector<1x16xf32>
      tpu.vector_store %arg4[%swap3A_353, %swap3A_354], %swap3A_357 {strides = array<i32>} : memref<40x1024xf32, #tpu.memory_space<vmem>>, vector<1x16xf32>,
      %mul3A_358 = arith.constant 16 : i32
      %mul3A_359 = arith.muli %scan3A_64, %mul3A_358 : i32
      %swap3A_360 = arith.constant 37 : i32
      %swap3A_361 = arith.index_cast %swap3A_360 : i32 to index
      %swap3A_362 = arith.index_cast %mul3A_359 : i32 to index
      %swap3A_363 = tpu.vector_load %arg4[%swap3A_361, %swap3A_362] {strides = array<i32>} : memref<40x1024xf32, #tpu.memory_space<vmem>>, vector<1x16xf32>,
      %swap3A_364 = vector.shape_cast %swap3A_363 : vector<1x16xf32> to vector<16xf32>
      %swap3A_365 = vector.shape_cast %get3A_70 : vector<16xf32> to vector<1x16xf32>
      tpu.vector_store %arg4[%swap3A_361, %swap3A_362], %swap3A_365 {strides = array<i32>} : memref<40x1024xf32, #tpu.memory_space<vmem>>, vector<1x16xf32>,
      %mul3A_366 = arith.constant 16 : i32
      %mul3A_367 = arith.muli %scan3A_64, %mul3A_366 : i32
      %swap3A_368 = arith.constant 38 : i32
      %swap3A_369 = arith.index_cast %swap3A_368 : i32 to index
      %swap3A_370 = arith.index_cast %mul3A_367 : i32 to index
      %swap3A_371 = tpu.vector_load %arg4[%swap3A_369, %swap3A_370] {strides = array<i32>} : memref<40x1024xf32, #tpu.memory_space<vmem>>, vector<1x16xf32>,
      %swap3A_372 = vector.shape_cast %swap3A_371 : vector<1x16xf32> to vector<16xf32>
      %swap3A_373 = vector.shape_cast %get3A_70 : vector<16xf32> to vector<1x16xf32>
      tpu.vector_store %arg4[%swap3A_369, %swap3A_370], %swap3A_373 {strides = array<i32>} : memref<40x1024xf32, #tpu.memory_space<vmem>>, vector<1x16xf32>,
      %mul3A_374 = arith.constant 16 : i32
      %mul3A_375 = arith.muli %scan3A_64, %mul3A_374 : i32
      %swap3A_376 = arith.constant 39 : i32
      %swap3A_377 = arith.index_cast %swap3A_376 : i32 to index
      %swap3A_378 = arith.index_cast %mul3A_375 : i32 to index
      %swap3A_379 = tpu.vector_load %arg4[%swap3A_377, %swap3A_378] {strides = array<i32>} : memref<40x1024xf32, #tpu.memory_space<vmem>>, vector<1x16xf32>,
      %swap3A_380 = vector.shape_cast %swap3A_379 : vector<1x16xf32> to vector<16xf32>
      %swap3A_381 = vector.shape_cast %get3A_70 : vector<16xf32> to vector<1x16xf32>
      tpu.vector_store %arg4[%swap3A_377, %swap3A_378], %swap3A_381 {strides = array<i32>} : memref<40x1024xf32, #tpu.memory_space<vmem>>, vector<1x16xf32>,
    }
    %scan3A_9 = arith.constant 64 : i32
    %rem3A_10 = arith.constant 8 : i32
    %rem3A_11 = arith.remsi %add3A, %rem3A_10 : i32
    %eq3A = arith.constant 0 : i32
    %eq3A_12 = arith.cmpi eq, %rem3A_11, %eq3A : i32
    %convert_element_type3A = arith.extui %eq3A_12 : i1 to i32
    %cond3A = arith.constant 0 : i32
    %cond3A_13 = arith.cmpi ne, %convert_element_type3A, %cond3A : i32
    scf.if %cond3A_13 {
      %run_scoped3A_64 = arith.constant 0 : i32
      "tpu.region"() ({
        %run_scoped3A_65 = tpu.sem_alloc : memref<!tpu.dma_semaphore, #tpu.memory_space<semaphore_mem>>
        %dma_start3A_66 = arith.constant 0 : i32
        %dma_start3A_67 = tpu.memref_slice %arg4[%run_scoped3A_64, %dma_start3A_66] : memref<40x1024xf32, #tpu.memory_space<vmem>> -> memref<1x1024xf32, #tpu.memory_space<vmem>>
        %dma_start3A_68 = tpu.memref_squeeze %dma_start3A_67 : memref<1x1024xf32, #tpu.memory_space<vmem>> -> memref<1024xf32, #tpu.memory_space<vmem>>
        %dma_start3A_69 = arith.constant 1024 : i32
        %dma_start3A_70 = tpu.memref_slice %arg2[%dma_start3A_69] : memref<2048xf32, #tpu.memory_space<hbm>> -> memref<1024xf32, #tpu.memory_space<hbm>>
        %dma_start3A_71 = arith.constant 0 : i32
        %dma_start3A_72 = tpu.memref_slice %arg4[%run_scoped3A_64, %dma_start3A_71] : memref<40x1024xf32, #tpu.memory_space<vmem>> -> memref<1x1024xf32, #tpu.memory_space<vmem>>
        %dma_start3A_73 = tpu.memref_squeeze %dma_start3A_72 : memref<1x1024xf32, #tpu.memory_space<vmem>> -> memref<1024xf32, #tpu.memory_space<vmem>>
        %dma_start3A_74 = arith.constant 1024 : i32
        %dma_start3A_75 = tpu.memref_slice %arg2[%dma_start3A_74] : memref<2048xf32, #tpu.memory_space<hbm>> -> memref<1024xf32, #tpu.memory_space<hbm>>
        tpu.enqueue_dma source(%dma_start3A_75 : memref<1024xf32, #tpu.memory_space<hbm>>) target(%dma_start3A_73 : memref<1024xf32, #tpu.memory_space<vmem>>) target_semaphore(%run_scoped3A_65 : memref<!tpu.dma_semaphore, #tpu.memory_space<semaphore_mem>>)
        %dma_wait3A_76 = arith.constant 0 : i32
        %dma_wait3A_77 = tpu.memref_slice %arg4[%run_scoped3A_64, %dma_wait3A_76] : memref<40x1024xf32, #tpu.memory_space<vmem>> -> memref<1x1024xf32, #tpu.memory_space<vmem>>
        %dma_wait3A_78 = tpu.memref_squeeze %dma_wait3A_77 : memref<1x1024xf32, #tpu.memory_space<vmem>> -> memref<1024xf32, #tpu.memory_space<vmem>>
        %dma_wait3A_79 = arith.constant 1024 : i32
        %dma_wait3A_80 = tpu.memref_slice %arg2[%dma_wait3A_79] : memref<2048xf32, #tpu.memory_space<hbm>> -> memref<1024xf32, #tpu.memory_space<hbm>>
        %dma_wait3A_81 = arith.constant 0 : i32
        %dma_wait3A_82 = tpu.memref_slice %arg4[%run_scoped3A_64, %dma_wait3A_81] : memref<40x1024xf32, #tpu.memory_space<vmem>> -> memref<1x1024xf32, #tpu.memory_space<vmem>>
        %dma_wait3A_83 = tpu.memref_squeeze %dma_wait3A_82 : memref<1x1024xf32, #tpu.memory_space<vmem>> -> memref<1024xf32, #tpu.memory_space<vmem>>
        %dma_wait3A_84 = arith.constant 1024 : i32
        %dma_wait3A_85 = tpu.memref_slice %arg2[%dma_wait3A_84] : memref<2048xf32, #tpu.memory_space<hbm>> -> memref<1024xf32, #tpu.memory_space<hbm>>
        tpu.wait_dma2 semaphore(%run_scoped3A_65 : memref<!tpu.dma_semaphore, #tpu.memory_space<semaphore_mem>>) src(%dma_wait3A_85 : memref<1024xf32, #tpu.memory_space<hbm>>) dst(%dma_wait3A_83 : memref<1024xf32, #tpu.memory_space<vmem>>)
        tpu.yield
      }) : () -> ()
    } else {
    }
    %dma_start3A = arith.constant 0 : i32
    %dma_start3A_14 = arith.constant 0 : i32
    %dma_start3A_15 = tpu.memref_slice %arg4[%dma_start3A, %dma_start3A_14] : memref<40x1024xf32, #tpu.memory_space<vmem>> -> memref<32x1024xf32, #tpu.memory_space<vmem>>
    %dma_start3A_16 = arith.constant 0 : i32
    %dma_start3A_17 = tpu.memref_slice %arg3[%div3A_1, %multiple_of3A, %dma_start3A_16] : memref<4x512x1024xf32, #tpu.memory_space<hbm>> -> memref<1x32x1024xf32, #tpu.memory_space<hbm>>
    %dma_start3A_18 = tpu.memref_squeeze %dma_start3A_17 : memref<1x32x1024xf32, #tpu.memory_space<hbm>> -> memref<32x1024xf32, #tpu.memory_space<hbm>>
    %dma_start3A_19 = arith.constant 0 : i32
    %dma_start3A_20 = tpu.memref_slice %arg3[%div3A_1, %multiple_of3A, %dma_start3A_19] : memref<4x512x1024xf32, #tpu.memory_space<hbm>> -> memref<1x32x1024xf32, #tpu.memory_space<hbm>>
    %dma_start3A_21 = tpu.memref_squeeze %dma_start3A_20 : memref<1x32x1024xf32, #tpu.memory_space<hbm>> -> memref<32x1024xf32, #tpu.memory_space<hbm>>
    %dma_start3A_22 = arith.constant 0 : i32
    %dma_start3A_23 = arith.constant 0 : i32
    %dma_start3A_24 = tpu.memref_slice %arg4[%dma_start3A_22, %dma_start3A_23] : memref<40x1024xf32, #tpu.memory_space<vmem>> -> memref<32x1024xf32, #tpu.memory_space<vmem>>
    tpu.enqueue_dma source(%dma_start3A_24 : memref<32x1024xf32, #tpu.memory_space<vmem>>) target(%dma_start3A_21 : memref<32x1024xf32, #tpu.memory_space<hbm>>) target_semaphore(%arg5 : memref<!tpu.dma_semaphore, #tpu.memory_space<semaphore_mem>>)
    %add3A_25 = arith.constant 32 : i32
    %add3A_26 = arith.addi %multiple_of3A, %add3A_25 : i32
    %dma_start3A_27 = arith.constant 8 : i32
    %dma_start3A_28 = arith.constant 0 : i32
    %dma_start3A_29 = tpu.memref_slice %arg4[%dma_start3A_27, %dma_start3A_28] : memref<40x1024xf32, #tpu.memory_space<vmem>> -> memref<32x1024xf32, #tpu.memory_space<vmem>>
    %dma_start3A_30 = arith.constant 0 : i32
    %dma_start3A_31 = tpu.memref_slice %arg3[%div3A_1, %add3A_26, %dma_start3A_30] : memref<4x512x1024xf32, #tpu.memory_space<hbm>> -> memref<1x32x1024xf32, #tpu.memory_space<hbm>>
    %dma_start3A_32 = tpu.memref_squeeze %dma_start3A_31 : memref<1x32x1024xf32, #tpu.memory_space<hbm>> -> memref<32x1024xf32, #tpu.memory_space<hbm>>
    %dma_start3A_33 = arith.constant 0 : i32
    %dma_start3A_34 = tpu.memref_slice %arg3[%div3A_1, %add3A_26, %dma_start3A_33] : memref<4x512x1024xf32, #tpu.memory_space<hbm>> -> memref<1x32x1024xf32, #tpu.memory_space<hbm>>
    %dma_start3A_35 = tpu.memref_squeeze %dma_start3A_34 : memref<1x32x1024xf32, #tpu.memory_space<hbm>> -> memref<32x1024xf32, #tpu.memory_space<hbm>>
    %dma_start3A_36 = arith.constant 8 : i32
    %dma_start3A_37 = arith.constant 0 : i32
    %dma_start3A_38 = tpu.memref_slice %arg4[%dma_start3A_36, %dma_start3A_37] : memref<40x1024xf32, #tpu.memory_space<vmem>> -> memref<32x1024xf32, #tpu.memory_space<vmem>>
    tpu.enqueue_dma source(%dma_start3A_38 : memref<32x1024xf32, #tpu.memory_space<vmem>>) target(%dma_start3A_35 : memref<32x1024xf32, #tpu.memory_space<hbm>>) target_semaphore(%arg5 : memref<!tpu.dma_semaphore, #tpu.memory_space<semaphore_mem>>)
    %dma_wait3A = arith.constant 0 : i32
    %dma_wait3A_39 = arith.constant 0 : i32
    %dma_wait3A_40 = tpu.memref_slice %arg4[%dma_wait3A, %dma_wait3A_39] : memref<40x1024xf32, #tpu.memory_space<vmem>> -> memref<32x1024xf32, #tpu.memory_space<vmem>>
    %dma_wait3A_41 = arith.constant 0 : i32
    %dma_wait3A_42 = tpu.memref_slice %arg3[%div3A_1, %multiple_of3A, %dma_wait3A_41] : memref<4x512x1024xf32, #tpu.memory_space<hbm>> -> memref<1x32x1024xf32, #tpu.memory_space<hbm>>
    %dma_wait3A_43 = tpu.memref_squeeze %dma_wait3A_42 : memref<1x32x1024xf32, #tpu.memory_space<hbm>> -> memref<32x1024xf32, #tpu.memory_space<hbm>>
    %dma_wait3A_44 = arith.constant 0 : i32
    %dma_wait3A_45 = tpu.memref_slice %arg3[%div3A_1, %multiple_of3A, %dma_wait3A_44] : memref<4x512x1024xf32, #tpu.memory_space<hbm>> -> memref<1x32x1024xf32, #tpu.memory_space<hbm>>
    %dma_wait3A_46 = tpu.memref_squeeze %dma_wait3A_45 : memref<1x32x1024xf32, #tpu.memory_space<hbm>> -> memref<32x1024xf32, #tpu.memory_space<hbm>>
    %dma_wait3A_47 = arith.constant 0 : i32
    %dma_wait3A_48 = arith.constant 0 : i32
    %dma_wait3A_49 = tpu.memref_slice %arg4[%dma_wait3A_47, %dma_wait3A_48] : memref<40x1024xf32, #tpu.memory_space<vmem>> -> memref<32x1024xf32, #tpu.memory_space<vmem>>
    tpu.wait_dma2 semaphore(%arg5 : memref<!tpu.dma_semaphore, #tpu.memory_space<semaphore_mem>>) src(%dma_wait3A_49 : memref<32x1024xf32, #tpu.memory_space<vmem>>) dst(%dma_wait3A_46 : memref<32x1024xf32, #tpu.memory_space<hbm>>)
    %add3A_50 = arith.constant 32 : i32
    %add3A_51 = arith.addi %multiple_of3A, %add3A_50 : i32
    %dma_wait3A_52 = arith.constant 8 : i32
    %dma_wait3A_53 = arith.constant 0 : i32
    %dma_wait3A_54 = tpu.memref_slice %arg4[%dma_wait3A_52, %dma_wait3A_53] : memref<40x1024xf32, #tpu.memory_space<vmem>> -> memref<32x1024xf32, #tpu.memory_space<vmem>>
    %dma_wait3A_55 = arith.constant 0 : i32
    %dma_wait3A_56 = tpu.memref_slice %arg3[%div3A_1, %add3A_51, %dma_wait3A_55] : memref<4x512x1024xf32, #tpu.memory_space<hbm>> -> memref<1x32x1024xf32, #tpu.memory_space<hbm>>
    %dma_wait3A_57 = tpu.memref_squeeze %dma_wait3A_56 : memref<1x32x1024xf32, #tpu.memory_space<hbm>> -> memref<32x1024xf32, #tpu.memory_space<hbm>>
    %dma_wait3A_58 = arith.constant 0 : i32
    %dma_wait3A_59 = tpu.memref_slice %arg3[%div3A_1, %add3A_51, %dma_wait3A_58] : memref<4x512x1024xf32, #tpu.memory_space<hbm>> -> memref<1x32x1024xf32, #tpu.memory_space<hbm>>
    %dma_wait3A_60 = tpu.memref_squeeze %dma_wait3A_59 : memref<1x32x1024xf32, #tpu.memory_space<hbm>> -> memref<32x1024xf32, #tpu.memory_space<hbm>>
    %dma_wait3A_61 = arith.constant 8 : i32
    %dma_wait3A_62 = arith.constant 0 : i32
    %dma_wait3A_63 = tpu.memref_slice %arg4[%dma_wait3A_61, %dma_wait3A_62] : memref<40x1024xf32, #tpu.memory_space<vmem>> -> memref<32x1024xf32, #tpu.memory_space<vmem>>
    tpu.wait_dma2 semaphore(%arg5 : memref<!tpu.dma_semaphore, #tpu.memory_space<semaphore_mem>>) src(%dma_wait3A_63 : memref<32x1024xf32, #tpu.memory_space<vmem>>) dst(%dma_wait3A_60 : memref<32x1024xf32, #tpu.memory_space<hbm>>)
    return
  }
}

module attributes {stable_mosaic.version = 14 : i64} {
  func.func @_mask_body(%arg0: memref<4x512x16xi32, #tpu.memory_space<vmem>>, %arg1: memref<4x512xi32, #tpu.memory_space<vmem>>) attributes {dimension_semantics = [], scalar_prefetch = 0 : i64, scratch_operands = 0 : i64, tpu.core_type = #tpu.core_type<tc>} {
    %get3A = arith.constant 0 : index
    %get3A_0 = arith.constant 0 : index
    %get3A_1 = arith.constant 0 : index
    %get3A_2 = vector.load %arg0[%get3A, %get3A_0, %get3A_1] : memref<4x512x16xi32, #tpu.memory_space<vmem>>, vector<4x512x16xi32>
    %get3A_3 = arith.constant dense<0> : vector<4x512x16xi32>
    %get3A_4 = arith.cmpi ne, %get3A_2, %get3A_3 : vector<4x512x16xi32>
    %reduce_and3A = arith.constant 1.000000e+00 : f32
    %reduce_and3A_5 = arith.constant 0.000000e+00 : f32
    %reduce_and3A_6 = vector.broadcast %reduce_and3A : f32 to vector<4x512x16xf32>
    %reduce_and3A_7 = vector.broadcast %reduce_and3A_5 : f32 to vector<4x512x16xf32>
    %reduce_and3A_8 = arith.select %get3A_4, %reduce_and3A_6, %reduce_and3A_7 : vector<4x512x16xi1>, vector<4x512x16xf32>
    %reduce_and3A_9 = arith.constant dense<0x7F800000> : vector<4x512xf32>
    %reduce_and3A_10 = vector.multi_reduction <minimumf>, %reduce_and3A_8, %reduce_and3A_9 [2] : vector<4x512x16xf32> to vector<4x512xf32>
    %reduce_and3A_11 = arith.constant 0.000000e+00 : f32
    %reduce_and3A_12 = vector.broadcast %reduce_and3A_11 : f32 to vector<4x512xf32>
    %reduce_and3A_13 = arith.cmpf ogt, %reduce_and3A_10, %reduce_and3A_12 : vector<4x512xf32>
    %swap3A = arith.constant 0 : index
    %swap3A_14 = arith.constant 0 : index
    %swap3A_15 = vector.load %arg1[%swap3A, %swap3A_14] : memref<4x512xi32, #tpu.memory_space<vmem>>, vector<4x512xi32>
    %swap3A_16 = arith.extui %reduce_and3A_13 : vector<4x512xi1> to vector<4x512xi32>
    %swap3A_17 = arith.constant dense<0> : vector<4x512xi32>
    %swap3A_18 = arith.cmpi ne, %swap3A_15, %swap3A_17 : vector<4x512xi32>
    tpu.vector_store %arg1[%swap3A, %swap3A_14], %swap3A_16 {strides = array<i32>} : memref<4x512xi32, #tpu.memory_space<vmem>>, vector<4x512xi32>,
    return
  }
}

</mosaic_0001>

<sc_bundles>
// kernel: kernel.4.cloned.1.call-start
scs
__scs_entry_jumppad:
0x0: {  	(pc) =	sbr.rel $0x88, $3  }
0x1: {  	(tag) =	ssettag $0x0;
	lr =	simm.s32 $0x1  }
0x2: {  	[smem:$0x3F9F] =	sst lr;
	_ =	strace $0xD0000000  }
0x3: {  	_ = 	snop  }
0x4: {  	_ = 	snop  }
0x5: {  	_ = 	snop  }
0x6: {  	_ = 	snop  }
0x7: {  	_ = 	snop  }
__scs_overlays_trampoline_lowered:
0x8: {  	[smem:$0x3FAE] =	sst s0  }
0x9: {  	[smem:$0x3FAF] =	sst s1  }
0xa: {  	[smem:$0x3FB0] =	sst s2  }
0xb: {  	[smem:$0x3FB1] =	sst s3  }
0xc: {  	[smem:$0x3FB2] =	sst s4  }
0xd: {  	[smem:$0x3FB3] =	sst s5  }
0xe: {  	[smem:$0x3FB4] =	sst s6  }
0xf: {  	[smem:$0x3FB5] =	sst s7  }
0x10: {  	[smem:$0x3FB6] =	sst s8  }
0x11: {  	[smem:$0x3FB7] =	sst s9;
	s0 =	simm.s32 @!p0 $0x0  }
0x12: {  	s1 =	sld [smem:$0x3F9D];
	s0 =	simm.s32 @p0 $0x1  }
0x13: {  	[smem:$0x3FB8] =	sst s0;
	s0 =	simm.s32 @!p1 $0x0  }
0x14: {  	s2 =	sld [smem:$0x3F9C];
	s0 =	simm.s32 @p1 $0x1  }
0x15: {  	[smem:$0x3FB9] =	sst s0;
	s0 =	simm.s32 @!p2 $0x0  }
0x16: {  	s3 =	sld [smem:$0x3FDB];
	s0 =	simm.s32 @p2 $0x1  }
0x17: {  	s4 =	simm.s32 $0x1BF5;
	[smem:$0x3FBB] =	sst s0  }
0x18: {  	s0 =	sld [smem:$0x3F9E];
	_ =	swait.ge [sflag:s4], $0x0  }
0x19: {  	s7 =	sld [smem:$0x3F9F]  }
0x1a: {  	s8 =	sadd.s32 $0xFFFFE003, lr  }
0x1b: {  	s9 =	sadd.s32 $0xFFFFFEF7, lr;
	s5 =	simm.s32 $0xFFFFFFFF;
	p2 =	slt.u32 s8, $0xFFFFF086  }
0x1c: {  	p1 =	slt.u32 s9, $0xF7A;
	s5 =	simm.s32 @!p2 $0x0  }
0x1d: {  	s5 =	simm.s32 @p1 $0x1;
	p0 =	seq.s32 s7, s2  }
0x1e: {  	s7 =	smul.u32 @!p0 $0xF7A, s2;
	p2 =	seq.s32 @!p0 s5, $0x0  }
0x1f: {  	s9 =	smul.u32 $0xF7A, s1;
	s8 =	simm.s32 @!p0 $0x1BF5;
	p2 =	por !p2, p0  }
0x20: {  	[sflag:s8] =	ssyncset.s32 @!p0 $0xFFFFF086;
	s6 =	sadd.s32 @!p0 s3, s7;
	s7 =	simm.s32 @!p0 $0x108  }
0x21: {  	s3 =	sadd.s32 s3, s9;
	s6 =	sadd.s32 @!p0 $0x88, s6;
	s7 =	simm.s32 @p2 $0x1082  }
0x22: {  	[simem:s7], [sflag:s8] =	dma.local @!p0 [hbm:s6], $0xF7A  }
0x23: {  	s9 =	sor.u32 $0xD0000000, s2;
	s6 =	simm.s32 $0x108;
	_ =	swait.ge @!p0 [sflag:s8], $0x0  }
0x24: {  	s3 =	sadd.s32 $0x88, s3;
	s6 =	simm.s32 @!p1 $0x1082;
	[sflag:s4] =	ssyncset.s32 $0xFFFFF086  }
0x25: {  	[simem:s6], [sflag:s4] =	dma.local [hbm:s3], $0xF7A  }
0x26: {  	[smem:$0x3F9F] =	sst s1;
	(tag) =	ssettag s2;
	_ =	strace s9  }
0x27: {  	s1 =	sld [smem:$0x3FAF]  }
0x28: {  	s2 =	sld [smem:$0x3FB0]  }
0x29: {  	s4 =	sld [smem:$0x3FB2]  }
0x2a: {  	p0 =	seq.s32 s5, $0x0;
	s5 =	sld [smem:$0x3FB3]  }
0x2b: {  	s6 =	sld [smem:$0x3FB4]  }
0x2c: {  	s7 =	sld [smem:$0x3FB5]  }
0x2d: {  	s3 =	simm.s32 $0x108;
	s8 =	sld [smem:$0x3FB6]  }
0x2e: {  	s3 =	simm.s32 @!p0 $0x1082;
	s9 =	sld [smem:$0x3FB7]  }
0x2f: {  	lr =	sadd.s32 s0, s3;
	s0 =	sld [smem:$0x3FAE]  }
0x30: {  	s3 =	sld [smem:$0x3FB1]  }
0x31: {  	[smem:$0x3FBA] =	sst s10  }
0x32: {  	s10 =	sld [smem:$0x3FB8];
	_ =	sdelay $0x3  }
0x33: {  	p0 =	seq.s32 s10, $0x1;
	s10 =	sld [smem:$0x3FBA];
	_ =	sdelay $0x3  }
0x34: {  	[smem:$0x3FBA] =	sst s10  }
0x35: {  	s10 =	sld [smem:$0x3FB9];
	_ =	sdelay $0x3  }
0x36: {  	p1 =	seq.s32 s10, $0x1;
	s10 =	sld [smem:$0x3FBA];
	_ =	sdelay $0x3  }
0x37: {  	[smem:$0x3FBA] =	sst s10  }
0x38: {  	s10 =	sld [smem:$0x3FBB]  }
0x39: {  	_ = 	snop;
	(pc) =	sbr.ind lr, $3  }
0x3a: {  	_ = 	snop  }
0x3b: {  	_ = 	snop  }
0x3c: {  	p2 =	seq.s32 s10, $0x1;
	s10 =	sld [smem:$0x3FBA]  }
0x3d: {  	_ =	shalt  }
0x3e: {  	_ =	shalt  }
0x3f: {  	_ =	shalt  }
0x40: {  	_ =	shalt  }
0x41: {  	_ =	shalt  }
0x42: {  	_ =	shalt  }
0x43: {  	_ =	shalt  }
0x44: {  	_ =	shalt  }
0x45: {  	_ =	shalt  }
0x46: {  	_ =	shalt  }
0x47: {  	_ =	shalt  }
0x48: {  	_ =	shalt  }
0x49: {  	_ =	shalt  }
0x4a: {  	_ =	shalt  }
0x4b: {  	_ =	shalt  }
0x4c: {  	_ =	shalt  }
0x4d: {  	_ =	shalt  }
0x4e: {  	_ =	shalt  }
0x4f: {  	_ =	shalt  }
0x50: {  	_ =	shalt  }
0x51: {  	_ =	shalt  }
0x52: {  	_ =	shalt  }
0x53: {  	_ =	shalt  }
0x54: {  	_ =	shalt  }
0x55: {  	_ =	shalt  }
0x56: {  	_ =	shalt  }
0x57: {  	_ =	shalt  }
0x58: {  	_ =	shalt  }
0x59: {  	_ =	shalt  }
0x5a: {  	_ =	shalt  }
0x5b: {  	_ =	shalt  }
0x5c: {  	_ =	shalt  }
0x5d: {  	_ =	shalt  }
0x5e: {  	_ =	shalt  }
0x5f: {  	_ =	shalt  }
0x60: {  	_ =	shalt  }
0x61: {  	_ =	shalt  }
0x62: {  	_ =	shalt  }
0x63: {  	_ =	shalt  }
0x64: {  	_ =	shalt  }
0x65: {  	_ =	shalt  }
0x66: {  	_ =	shalt  }
0x67: {  	_ =	shalt  }
0x68: {  	_ =	shalt  }
0x69: {  	_ =	shalt  }
0x6a: {  	_ =	shalt  }
0x6b: {  	_ =	shalt  }
0x6c: {  	_ =	shalt  }
0x6d: {  	_ =	shalt  }
0x6e: {  	_ =	shalt  }
0x6f: {  	_ =	shalt  }
0x70: {  	_ =	shalt  }
0x71: {  	_ =	shalt  }
0x72: {  	_ =	shalt  }
0x73: {  	_ =	shalt  }
0x74: {  	_ =	shalt  }
0x75: {  	_ =	shalt  }
0x76: {  	_ =	shalt  }
0x77: {  	_ =	shalt  }
0x78: {  	_ =	shalt  }
0x79: {  	_ =	shalt  }
0x7a: {  	_ =	shalt  }
0x7b: {  	_ =	shalt  }
0x7c: {  	_ =	shalt  }
0x7d: {  	_ =	shalt  }
0x7e: {  	_ =	shalt  }
0x7f: {  	_ =	shalt  }
0x80: {  	_ =	shalt  }
0x81: {  	_ =	shalt  }
0x82: {  	_ =	shalt  }
0x83: {  	_ =	shalt  }
0x84: {  	_ =	shalt  }
0x85: {  	_ =	shalt  }
0x86: {  	_ =	shalt  }
0x87: {  	_ =	shalt  }
.Lfunc_end0:
.L_simem_size_0:
called_computation_lowered:
.L_overlay_start_0:
0x88: {  	s2 =	sld [smem:$0x3FD9]  }
0x89: {  	s3 =	sld [smem:$0x3FFE];
	_ =	sdelay $0x1  }
0x8a: {  	s1 =	srdreg.scid  }
0x8b: {  	s0 =	sand.u32 $0x1, s1  }
0x8c: {  	s14 =	sshll.u32 s0, $0xA;
	s2 =	sadd.s32 s3, s2  }
0x8d: {  	s2 =	sadd.s32 s2, s14  }
0x8e: {  	[smem:$0x3FC6] =	sst s2  }
0x8f: {  	_ = 	snop  }
0x90: {  	s2 =	sld [smem:$0x3FD0];
	_ =	sdelay $0x2  }
0x91: {  	s15 =	simm.s32 $0xA;
	s4 =	simm.s32 $0x10  }
0x92: {  	[smem:s4], [sflag:s15] =	dma.local [hbm:s2], $0x1  }
0x93: {  	_ =	swait.eq [sflag:s15], $0x1  }
0x94: {  	[sflag:s15] =	ssyncset.done $0x0  }
0x95: {  	[sflag:s15] =	ssyncadd.s32 $0xFFFFFFFF  }
0x96: {  	s16 =	sld [smem:$0x10];
	(tm) =	ssettm $0x1  }
0x97: {  	s17 =	sld [smem:$0x3FFB];
	_ =	sdelay $0x3  }
0x98: {  	_ =	strace s17  }
0x99: {  	s3 =	sld [smem:$0x3FFC];
	_ =	sdelay $0x3  }
0x9a: {  	_ =	strace s3  }
0x9b: {  	s3 =	sld [smem:$0x3FFD];
	_ =	sdelay $0x3  }
0x9c: {  	_ =	strace s3  }
0x9d: {  	_ =	strace $0x8FFFFFFF  }
0x9e: {  	s18 =	sld [smem:$0x3FDB];
	_ =	sdelay $0x1  }
0x9f: {  	s19 =	simm.s32 $_scs_section_size  }
0xa0: {  	s5 =	simm.s32 $_size__tile_overlayer_lowered;
	s6 =	simm.s32 $_tile_overlayer_lowered  }
0xa1: {  	s22 =	simm.s32 $0x1BFF;
	s21 =	sshll.u32 s6, $0x1;
	s3 =	sadd.s32 s19, s18  }
0xa2: {  	s7 =	simm.s32 $0x0;
	s20 =	sshll.u32 s5, $0x1;
	s5 =	sadd.s32 s21, s3  }
0xa3: {  	[timem:s7], [sflag:s22] =	dma.local [hbm:s5], s20  }
0xa4: {  	_ =	swait.ge [sflag:s22], s20  }
0xa5: {  	s4 =	ssub.s32 $0x0, s20;
	[sflag:s22] =	ssyncset.done $0x0  }
0xa6: {  	[sflag:s22] =	ssyncadd.s32 s4;
	_ =	sdelay $0x1  }
0xa7: {  	s23 =	simm.s32 $0x1B8B  }
0xa8: {  	_ =	swait.ge [sflag:s23], $0x1  }
0xa9: {  	[sflag:s23] =	ssyncset.done $0x0  }
0xaa: {  	s25 =	simm.s32 $0x1B8E;
	s24 =	sld [smem:$0x3FFE];
	[sflag:s23] =	ssyncadd.s32 $0xFFFFFFFF  }
0xab: {  	s26 =	simm.s32 $execute0_lowered;
	[smem:$0x3FD2] =	sst s25  }
0xac: {  	s5 =	sshll.u32 s26, $0x1;
	_ =	strace $0x80000046;
	[dreg:$0x1] =	wrdreg $0xFFFFFFFF  }
0xad: {  	s28 =	simm.s32 $_size_execute0_lowered;
	s3 =	sadd.s32 s3, s5;
	[dreg:$0x0] =	wrdreg $0x0  }
0xae: {  	s5 =	sshll.u32 s28, $0x1;
	[dreg:$0x2] =	wrdreg s3  }
0xaf: {  	[dreg:$0x3] =	wrdreg s5  }
0xb0: {  	[dreg:$0x4] =	wrdreg $0xC0  }
0xb1: {  	_ =	task [dreg:s7], $0x5FFFF  }
0xb2: {  	[dreg:$0x1] =	wrdreg $0xFFFFFFFF  }
0xb3: {  	[dreg:$0x0] =	wrdreg $0x60  }
0xb4: {  	[dreg:$0x2] =	wrdreg s24  }
0xb5: {  	[dreg:$0x3] =	wrdreg s16  }
0xb6: {  	[dreg:$0x4] =	wrdreg $0x9  }
0xb7: {  	_ =	task.clear_ibuf [dreg:s7], $0x5FFFF;
	_ =	strace $0x90000046  }
0xb8: {  	s29 =	simm.s32 $0x9;
	_ =	strace $0x80000048  }
0xb9: {  	_ =	swait.ge [sflag:s29], $0x1  }
0xba: {  	[sflag:s29] =	ssyncadd.s32 $0xFFFFFFFF  }
0xbb: {  	_ =	strace $0x90000048  }
0xbc: {  	_ =	sfence  }
0xbd: {  	s30 =	sld [smem:$0x0];
	_ =	sdelay $0x2  }
0xbe: {  	s31 =	sshll.u32 s1, $0xD;
	s1 =	sshrl.u32 s1, $0x2  }
0xbf: {  	s3 =	sand.u32 $0x4000, s31;
	s1 =	sadd.s32 s1, s30  }
0xc0: {  	s0 =	sor.u32 s3, s0;
	s1 =	sshll.u32 s1, $0x11  }
0xc1: {  	s0 =	sor.u32 s1, s0  }
0xc2: {  	s0 =	sadd.s32 $0x8F2B, s0  }
0xc3: {  	[sflag:s0] =	ssyncadd.remote.s32 $0x1  }
0xc4: {  	_ =	sfence.sel $0xFFFF  }
0xc5: {  	[dreg:$0x0] =	wrdreg $0xFFFFFFFF;
	(pc) =	sbr.abs _section_cstart, $3  }
0xc6: {  	[dreg:$0x1] =	wrdreg $0xFFFFFFFF  }
0xc7: {  	_ =	task.clear_ibuf [dreg:s7], $0x2FFFF;
	_ =	strace $0x9FFFFFFF  }
0xc8: {  	(tm) =	ssettm $0x7FFFFFFF  }
0xc9: {  	_ =	shalt  }
tec
execute0_lowered:
.L_overlay_start_1:
0x0: {  	(tag) =	ssettag $0x1  }
0x1: {  	s0 =	rddreg [dreg:$0x0];
	s5 =	stileid.u32  }
0x2: {  	s1 =	rddreg [dreg:$0x1];
	s2 =	srdreg.scid  }
0x3: {  	s18 =	simm.s32 $0x1000;
	s19 =	simm.s32 $0x1400;
	s20 =	simm.s32 $0x1800  }
0x4: {  	s21 =	simm.s32 $0x1C00;
	s22 =	simm.s32 $0x2;
	s28 =	simm.s32 $0x2000  }
0x5: {  	s29 =	simm.s32 $0x1;
	s30 =	simm.s32 $0x0;
	s3 =	sshll.u32 s5, $0x1  }
0x6: {  	s4 =	sand.u32 $0x1, s2;
	s2 =	simm.s32 $0x0;
	s23 =	sshll.u32 s5, $0xE  }
0x7: {  	s5 =	sadd.s32 $0x680, s0;
	s8 =	sadd.s32 $0x610, s0;
	s9 =	sadd.s32 $0x620, s0  }
0x8: {  	s10 =	sadd.s32 $0x630, s0;
	s11 =	sadd.s32 $0x640, s0;
	s12 =	sadd.s32 $0x650, s0  }
0x9: {  	s13 =	sadd.s32 $0x660, s0;
	s14 =	sadd.s32 $0x670, s0;
	s3 =	sand.u32 $0x6, s3  }
0xa: {  	[smem:$0x7FF] =	sst s2;
	s6 =	ssub.s32 $0x2, s4;
	s15 =	sor.u32 s4, s3  }
0xb: {  	s3 =	sand.u32 $0x30000, s23;
	_ =	strace $0x80000047;
	s26 =	sshrl.u32 s6, $0x1  }
0xc: {  	s24 =	sshll.u32 s15, $0xD;
	s31 =	ssub.s32 s6, s26;
	p0 =	sne.s32 s15, $0x0  }
0xd: {  	s25 =	sor.u32 s3, s24;
	s3 =	sadd.s32 $0x600, s0;
	s7 =	smax.u32 s31, $0x1  }
0xe: {  	s23 =	sadd.s32 @!p0 $0x10, s5;
	s24 =	sadd.s32 @!p0 $0x20, s5;
	s4 =	sadd.s32 s1, s25  }
0xf: {  	s26 =	sadd.s32 @!p0 $0x40, s5;
	s25 =	sadd.s32 @!p0 $0x30, s5;
	s6 =	sadd.s32 $0x1000, s4  }
.LBB2_1:
0x10: {  	[tilespmem:s2], [sflag:$0x2] =	stream.linear.gather [hbm4b:s3+s2], $0x80, $0x38;
	[tilespmem:$0xA000] =	vst v63  }
0x11: {  	s0 =	simm.s32 $0x400  }
0x12: {  	[tilespmem:s0], [sflag:$0x2] =	stream.linear.gather [hbm4b:s8+s2], $0x80, $0x38;
	[tilespmem:$0xA000] =	vst v63  }
0x13: {  	s15 =	simm.s32 $0x800  }
0x14: {  	[tilespmem:s15], [sflag:$0x2] =	stream.linear.gather [hbm4b:s9+s2], $0x80, $0x38;
	[tilespmem:$0xA000] =	vst v63  }
0x15: {  	s16 =	simm.s32 $0xC00  }
0x16: {  	[tilespmem:s16], [sflag:$0x2] =	stream.linear.gather [hbm4b:s10+s2], $0x80, $0x38;
	[tilespmem:$0xA000] =	vst v63  }
0x17: {  	_ = 	snop  }
0x18: {  	[tilespmem:s18], [sflag:$0x2] =	stream.linear.gather [hbm4b:s11+s2], $0x80, $0x38;
	[tilespmem:$0xA000] =	vst v63  }
0x19: {  	_ = 	snop  }
0x1a: {  	[tilespmem:s19], [sflag:$0x2] =	stream.linear.gather [hbm4b:s12+s2], $0x80, $0x38;
	[tilespmem:$0xA000] =	vst v63  }
0x1b: {  	_ = 	snop  }
0x1c: {  	[tilespmem:s20], [sflag:$0x2] =	stream.linear.gather [hbm4b:s13+s2], $0x80, $0x38;
	[tilespmem:$0xA000] =	vst v63  }
0x1d: {  	_ = 	snop  }
0x1e: {  	[tilespmem:s21], [sflag:$0x2] =	stream.linear.gather [hbm4b:s14+s2], $0x80, $0x38;
	[tilespmem:$0xA000] =	vst v63  }
0x1f: {  	_ =	swait.ge [sflag:s22], $0x400  }
0x20: {  	s17 =	sand.u32 $0x70, s2;
	s1 =	sand.u32 $0x1C00, s2;
	[sflag:s22] =	ssyncset.done $0x0  }
0x21: {  	s31 =	sor.u32 s17, s1;
	[sflag:s22] =	ssyncadd.s32 $0xFFFFFC00  }
0x22: {  	v0 =	vld [tilespmem:s31+$0x0];
	_ =	sdelay $0x3  }
0x23: {  	s1 =	simm.s32 $0x0;
	s0 =	simm.s32 $0x0;
	s15 =	simm.s32 $0x10  }
.LBB2_2:
0x24: {  	p1 =	sne.s32 s15, $0x3F0;
	[tilespmem:s31+$0x80] =	vst v0;
	v1 =	vmov v0  }
0x25: {  	[tilespmem:s31+$0x100] =	vst v1  }
0x26: {  	[tilespmem:s31+$0x180] =	vst v1  }
0x27: {  	[tilespmem:s31+$0x200] =	vst v1  }
0x28: {  	s16 =	sor.u32 s0, s1;
	s1 =	smov.u32 s15;
	[tilespmem:s31+$0x280] =	vst v1  }
0x29: {  	s16 =	sor.u32 $0x380, s16;
	[tilespmem:s31+$0x300] =	vst v1  }
0x2a: {  	[tilespmem:s16+$0x0] =	vst v1  }
0x2b: {  	[tilespmem:s31+$0x2000] =	vst v1  }
0x2c: {  	[tilespmem:s31+$0x2080] =	vst v1  }
0x2d: {  	[tilespmem:s31+$0x2100] =	vst v1  }
0x2e: {  	[tilespmem:s31+$0x2180] =	vst v1  }
0x2f: {  	[tilespmem:s31+$0x2200] =	vst v1  }
0x30: {  	[tilespmem:s31+$0x2280] =	vst v1  }
0x31: {  	[tilespmem:s31+$0x2300] =	vst v1  }
0x32: {  	[tilespmem:s31+$0x2380] =	vst v1  }
0x33: {  	[tilespmem:s31+$0x4000] =	vst v1  }
0x34: {  	[tilespmem:s31+$0x4080] =	vst v1  }
0x35: {  	[tilespmem:s31+$0x4100] =	vst v1  }
0x36: {  	[tilespmem:s31+$0x4180] =	vst v1  }
0x37: {  	[tilespmem:s31+$0x4200] =	vst v1  }
0x38: {  	[tilespmem:s31+$0x4280] =	vst v1  }
0x39: {  	[tilespmem:s31+$0x4300] =	vst v1  }
0x3a: {  	[tilespmem:s31+$0x4380] =	vst v1  }
0x3b: {  	[tilespmem:s31+$0x6000] =	vst v1  }
0x3c: {  	[tilespmem:s31+$0x6080] =	vst v1  }
0x3d: {  	[tilespmem:s31+$0x6100] =	vst v1  }
0x3e: {  	[tilespmem:s31+$0x6180] =	vst v1  }
0x3f: {  	[tilespmem:s31+$0x6200] =	vst v1  }
0x40: {  	[tilespmem:s31+$0x6280] =	vst v1  }
0x41: {  	[tilespmem:s31+$0x6300] =	vst v1  }
0x42: {  	[tilespmem:s31+$0x6380] =	vst v1  }
0x43: {  	s0 =	sadd.s32 $0x80, s0;
	[tilespmem:s31+$0x8000] =	vst v1  }
0x44: {  	s17 =	sand.u32 $0x1C00, s0;
	s16 =	sand.u32 $0x70, s15;
	[tilespmem:s31+$0x8080] =	vst v1  }
0x45: {  	s16 =	sor.u32 s16, s17;
	[tilespmem:s31+$0x8100] =	vst v1  }
.Ltmp0:
0x46: {  	v0 =	vld [tilespmem:s16+$0x0];
	[tilespmem:s31+$0x8180] =	vst v1;
	(pc) =	sbr.rel @p1 .LBB2_2-.Ltmp0, $4  }
0x47: {  	[tilespmem:s31+$0x8200] =	vst v1  }
0x48: {  	[tilespmem:s31+$0x8280] =	vst v1  }
0x49: {  	[tilespmem:s31+$0x8300] =	vst v1  }
0x4a: {  	s15 =	sadd.s32 $0x10, s15;
	[tilespmem:s31+$0x8380] =	vst v1;
	s31 =	smov.u32 s16  }
0x4b: {  	[tilespmem:s31+$0x80] =	vst v0  }
0x4c: {  	[tilespmem:s31+$0x100] =	vst v0  }
0x4d: {  	[tilespmem:s31+$0x180] =	vst v0  }
0x4e: {  	[tilespmem:s31+$0x200] =	vst v0  }
0x4f: {  	[tilespmem:s31+$0x280] =	vst v0;
	s0 =	sor.u32 s0, s1  }
0x50: {  	[tilespmem:s31+$0x300] =	vst v0;
	s0 =	sor.u32 $0x380, s0  }
0x51: {  	[tilespmem:s0+$0x0] =	vst v0  }
0x52: {  	[tilespmem:s31+$0x2000] =	vst v0  }
0x53: {  	[tilespmem:s31+$0x2080] =	vst v0  }
0x54: {  	[tilespmem:s31+$0x2100] =	vst v0  }
0x55: {  	[tilespmem:s31+$0x2180] =	vst v0  }
0x56: {  	[tilespmem:s31+$0x2200] =	vst v0  }
0x57: {  	[tilespmem:s31+$0x2280] =	vst v0  }
0x58: {  	[tilespmem:s31+$0x2300] =	vst v0  }
0x59: {  	[tilespmem:s31+$0x2380] =	vst v0  }
0x5a: {  	[tilespmem:s31+$0x4000] =	vst v0  }
0x5b: {  	[tilespmem:s31+$0x4080] =	vst v0  }
0x5c: {  	[tilespmem:s31+$0x4100] =	vst v0  }
0x5d: {  	[tilespmem:s31+$0x4180] =	vst v0  }
0x5e: {  	[tilespmem:s31+$0x4200] =	vst v0  }
0x5f: {  	[tilespmem:s31+$0x4280] =	vst v0  }
0x60: {  	[tilespmem:s31+$0x4300] =	vst v0  }
0x61: {  	[tilespmem:s31+$0x4380] =	vst v0  }
0x62: {  	[tilespmem:s31+$0x6000] =	vst v0  }
0x63: {  	[tilespmem:s31+$0x6080] =	vst v0  }
0x64: {  	[tilespmem:s31+$0x6100] =	vst v0  }
0x65: {  	[tilespmem:s31+$0x6180] =	vst v0  }
0x66: {  	[tilespmem:s31+$0x6200] =	vst v0  }
0x67: {  	[tilespmem:s31+$0x6280] =	vst v0  }
0x68: {  	[tilespmem:s31+$0x6300] =	vst v0  }
0x69: {  	[tilespmem:s31+$0x6380] =	vst v0  }
0x6a: {  	[tilespmem:s31+$0x8000] =	vst v0  }
0x6b: {  	[tilespmem:s31+$0x8080] =	vst v0  }
0x6c: {  	[tilespmem:s31+$0x8100] =	vst v0  }
0x6d: {  	[tilespmem:s31+$0x8180] =	vst v0  }
0x6e: {  	[tilespmem:s31+$0x8200] =	vst v0  }
0x6f: {  	[tilespmem:s31+$0x8280] =	vst v0  }
0x70: {  	[tilespmem:s31+$0x8300] =	vst v0  }
0x71: {  	s0 =	simm.s32 @!p0 $0x0;
	[tilespmem:s31+$0x8380] =	vst v0  }
0x72: {  	[tilespmem:s0], [sflag:$0x2] =	stream.linear.gather @!p0 [hbm4b:s5+s0], $0x80, $0x38;
	[tilespmem:$0xA000] =	vst v63  }
0x73: {  	s1 =	simm.s32 @!p0 $0x400  }
0x74: {  	[tilespmem:s1], [sflag:$0x2] =	stream.linear.gather @!p0 [hbm4b:s23+s0], $0x80, $0x38;
	[tilespmem:$0xA000] =	vst v63  }
0x75: {  	s1 =	simm.s32 @!p0 $0x800  }
0x76: {  	[tilespmem:s1], [sflag:$0x2] =	stream.linear.gather @!p0 [hbm4b:s24+s0], $0x80, $0x38;
	[tilespmem:$0xA000] =	vst v63  }
0x77: {  	s1 =	simm.s32 @!p0 $0xC00  }
0x78: {  	[tilespmem:s1], [sflag:$0x2] =	stream.linear.gather @!p0 [hbm4b:s25+s0], $0x80, $0x38;
	[tilespmem:$0xA000] =	vst v63  }
0x79: {  	s1 =	simm.s32 @!p0 $0x1000  }
0x7a: {  	[tilespmem:s1], [sflag:$0x2] =	stream.linear.gather @!p0 [hbm4b:s26+s0], $0x80, $0x38;
	[tilespmem:$0xA000] =	vst v63  }
0x7b: {  	s15 =	simm.s32 @!p0 $0x1400;
	s1 =	sadd.s32 @!p0 $0x50, s5  }
0x7c: {  	[tilespmem:s15], [sflag:$0x2] =	stream.linear.gather @!p0 [hbm4b:s1+s0], $0x80, $0x38;
	[tilespmem:$0xA000] =	vst v63  }
0x7d: {  	s1 =	sadd.s32 @!p0 $0x60, s5;
	s15 =	simm.s32 @!p0 $0x1800  }
0x7e: {  	[tilespmem:s15], [sflag:$0x2] =	stream.linear.gather @!p0 [hbm4b:s1+s0], $0x80, $0x38;
	[tilespmem:$0xA000] =	vst v63  }
0x7f: {  	s1 =	sadd.s32 @!p0 $0x70, s5;
	s15 =	simm.s32 @!p0 $0x1C00  }
0x80: {  	[tilespmem:s15], [sflag:$0x2] =	stream.linear.gather @!p0 [hbm4b:s1+s0], $0x80, $0x38;
	[tilespmem:$0xA000] =	vst v63  }
0x81: {  	s0 =	simm.s32 @!p0 $0x2  }
0x82: {  	_ =	swait.ge @!p0 [sflag:s0], $0x400  }
0x83: {  	[sflag:s0] =	ssyncset.done @!p0 $0x0  }
0x84: {  	[sflag:s0] =	ssyncadd.s32 @!p0 $0xFFFFFC00  }
0x85: {  	[hbm4b:s4+s2] =	stream.linear.scatter [tilespmem:s2], [sflag:$0x1], $0x8000, $0x38;
	[tilespmem:$0xA000] =	vst v63  }
0x86: {  	s30 =	sadd.s32 $0x1, s30  }
0x87: {  	[hbm4b:s6+s2] =	stream.linear.scatter [tilespmem:s28], [sflag:$0x1], $0x8000, $0x38;
	[tilespmem:$0xA000] =	vst v63  }
0x88: {  	p1 =	sne.s32 s30, s7;
	_ =	swait.ge [sflag:s29], $0x8000  }
.Ltmp1:
0x89: {  	[sflag:s29] =	ssyncset.done $0x0;
	(pc) =	sbr.rel @p1 .LBB2_1-.Ltmp1, $4  }
0x8a: {  	[sflag:s29] =	ssyncadd.s32 $0xFFFF8000  }
0x8b: {  	_ =	swait.ge [sflag:s29], $0x8000  }
0x8c: {  	[sflag:s29] =	ssyncset.done $0x0  }
0x8d: {  	[sflag:s29] =	ssyncadd.s32 $0xFFFF8000  }
0x8e: {  	_ =	sfence.sel $0x180000  }
0x8f: {  	[bflag:$0x0] =	sbarrier.arrive $0xFFFF  }
0x90: {  	_ =	strace $0x90000047  }
0x91: {  	s0 =	stileid.u32;
	[bflag:$0x2] =	sbarrier.arrive $0xFFFF  }
0x92: {  	p0 =	sne.s32 s0, $0x0;
	s0 =	rddreg [dreg:$0x2]  }
0x93: {  	s0 =	sadd.s32 @!p0 $0x100000, s0  }
0x94: {  	[sflag:s0] =	ssyncadd.tile.s32 @!p0 $0x1;
	_ =	shalt  }
.Lfunc_end2:
_tile_overlayer_lowered:
.L_overlay_start_2:
0x95: {  	(tag) =	ssettag $0x2  }
0x96: {  	s0 =	rddreg [dreg:$0x0];
	s2 =	stileid.u32  }
0x97: {  	s1 =	rddreg [dreg:$0x1];
	p0 =	sne.s32 s2, $0x0  }
0x98: {  	s3 =	rddreg [dreg:$0x2];
	[bflag:$0x3] =	sbarrier.arrive $0xFFFF;
	s2 =	simm.s32 @!p0 $0x1C02  }
0x99: {  	[timem:s3], [sflag:s2] =	dma.local @!p0 [hbm:s0], s1  }
0x9a: {  	s0 =	simm.s32 @!p0 $0x2  }
0x9b: {  	_ =	swait.ge @!p0 [sflag:s0], s1  }
0x9c: {  	s1 =	ssub.s32 @!p0 $0x0, s1;
	[sflag:s0] =	ssyncset.done @!p0 $0x0  }
0x9d: {  	[sflag:s0] =	ssyncadd.s32 @!p0 s1  }
0x9e: {  	[bflag:$0x3] =	sbarrier.arrive $0xFFFF  }
0x9f: {  	_ =	shalt  }

</sc_bundles>
